<compile_context>
chip_gen: v7x
topology: tpu7x:2x2x1
jax: 0.10.2.dev20260603
libtpu: 0.0.44.dev20260713+nightly
codegen_flags: <defaults>
</compile_context>

<pallas_src>
import functools

import jax
import jax.numpy as jnp
from jax import lax
from jax.experimental import pallas as pl
from jax.experimental.pallas import tpu as pltpu
from jax.experimental.pallas import tpu_sc as plsc

B = 16
S = 16
V = 100000
P = 200
P_PAD = 208
VH = V // 2
NEG = -1e30

@functools.cache
def _sc_build_mask_call():
    mesh = plsc.VectorSubcoreMesh(core_axis_name="c", subcore_axis_name="s")
    return pl.kernel(
        _sc_build_mask,
        mesh=mesh,
        out_type=jax.ShapeDtypeStruct((B * V,), jnp.float32),
        scratch_types=[
            pltpu.VMEM((VH,), jnp.float32),
            pltpu.VMEM((P_PAD,), jnp.int32),
        ],
        compiler_params=pltpu.CompilerParams(needs_layout_passes=False),
    )


def _sc_build_mask(seq_hbm, mask_hbm, buf, seq_row):
    cid = lax.axis_index("c")
    sid = lax.axis_index("s")
    wid = sid * 2 + cid
    b = wid // 2
    half = wid % 2
    base_v = half * VH

    def _zero(i, carry):
        buf[pl.ds(i * 16, 16)] = jnp.zeros((16,), jnp.float32)
        return carry

    lax.fori_loop(0, VH // 16, _zero, 0, unroll=8)

    pltpu.sync_copy(seq_hbm.at[pl.ds(b * P_PAD, P_PAD)], seq_row)

    ones = jnp.ones((16,), jnp.float32)

    def _scatter(k, carry):
        ids = seq_row[pl.ds(k * 16, 16)]
        valid = (ids != 0) & (ids >= base_v) & (ids < base_v + VH)
        local = jnp.where(valid, ids - base_v, 0)
        plsc.store_scatter(buf, [local], ones, mask=valid)
        return carry

    lax.fori_loop(0, P_PAD // 16, _scatter, 0, unroll=True)

    pltpu.sync_copy(buf, mask_hbm.at[pl.ds(wid * VH, VH)])


VC = 100352


def _tc_body(logits_ref, mask_ref, out_ref):
    cols = lax.broadcasted_iota(jnp.int32, (1, VC), 1)
    valid = cols < V
    x = jnp.where(valid, logits_ref[0], NEG)
    m = jnp.max(x, axis=1, keepdims=True)
    e = jnp.exp(x - m)
    mk = jnp.where(valid, mask_ref[0], 0.0)
    d = jnp.sum(e, axis=1, keepdims=True)
    n = jnp.sum(e * mk, axis=1, keepdims=True)
    out_ref[0] = n / d


_tc_call = pl.pallas_call(
    _tc_body,
    grid=(B,),
    in_specs=[
        pl.BlockSpec((1, S, VC), lambda b: (b, 0, 0)),
        pl.BlockSpec((1, 1, VC), lambda b: (b, 0, 0)),
    ],
    out_specs=pl.BlockSpec((1, S, 1), lambda b: (b, 0, 0)),
    out_shape=jax.ShapeDtypeStruct((B, S, 1), jnp.float32),
    compiler_params=pltpu.CompilerParams(
        dimension_semantics=("parallel",),
    ),
)


def kernel(logits, penalty_sequence):
    seq = penalty_sequence.astype(jnp.int32)
    seq_p = jnp.pad(seq, ((0, 0), (0, P_PAD - P)))
    mask = _sc_build_mask_call()(seq_p.reshape(-1))
    mask3 = mask.reshape(B, 1, V)
    out = _tc_call(logits, mask3)
    return out.reshape(B, S)

# --- scband reference (transcript-rebuilt; emitter-appended) ---
"""Pipeline reference for scband-suppression-loss-429496729757 (READ-ONLY COPY).

The authoritative reference and input builder live on the scoring server;
editing this copy changes nothing except your own understanding.
"""

import jax, jax.numpy as jnp
import numpy as np

VOCAB_SIZE = 100000
PAD_ID = 0  # Tokenizer().pad_id assumed 0


def setup_inputs(seed: int = 0) -> dict:
    key = jax.random.key(seed)
    k1, k2 = jax.random.split(key)
    logits = jax.random.normal(k1, (16, 16, VOCAB_SIZE), dtype=jnp.float32)
    penalty_sequence = jax.random.randint(k2, (16, 200), 0, VOCAB_SIZE, dtype=jnp.int64)
    return {"logits": logits, "penalty_sequence": penalty_sequence}


def reference(logits, penalty_sequence):
    # onehot(penalty_sequence, N=vocab_size, ignore_index=PAD_ID) followed by
    # sum over the sequence dim and clamp-to-1, implemented as a scatter-add
    # (avoids materializing the [B, P, V] one-hot tensor, but is mathematically
    # identical to onehot(...).sum(dim=-2) followed by min with ones).
    B, P = penalty_sequence.shape
    not_pad = (penalty_sequence != PAD_ID).astype(jnp.float32)
    batch_idx = jnp.arange(B)[:, None]
    counts = jnp.zeros((B, VOCAB_SIZE), dtype=jnp.float32).at[batch_idx, penalty_sequence].add(not_pad)
    # penalty_mask = min(sum_onehot, 1), shape [B, 1, V] (keepdim=True)
    penalty_mask = jnp.minimum(counts, jnp.ones_like(counts))[:, None, :]
    probs = jax.nn.softmax(logits, axis=-1)
    loss = penalty_mask * probs
    return loss.sum(axis=-1)

if __name__ == "__main__":
    import jax
    _d = setup_inputs()
    print(jax.jit(kernel)(*tuple(_d.values())))

</pallas_src>

<mosaic_0001>
#map = affine_map<(d0, d1) -> (0)>
module attributes {stable_mosaic.version = 14 : i64} {
  func.func @_sc_build_mask(%arg0: i32, %arg1: i32, %arg2: memref<3328xi32, #tpu.memory_space<hbm>>, %arg3: memref<1600000xf32, #tpu.memory_space<hbm>>, %arg4: memref<50000xf32, #tpu.memory_space<vmem>>, %arg5: memref<208xi32, #tpu.memory_space<vmem>>) attributes {dimension_semantics = [#tpu.dimension_semantics<core_parallel>, #tpu.dimension_semantics<subcore_parallel>], iteration_bounds = array<i64: 2, 16>, scalar_prefetch = 0 : i64, scratch_operands = 2 : i64, tpu.core_type = #tpu.core_type<sc_vector_subcore>, window_params = [{transform_indices = #map}, {transform_indices = #map}]} {
    %mul3A = arith.constant 2 : i32
    %mul3A_0 = arith.muli %arg1, %mul3A : i32
    %add3A = arith.addi %mul3A_0, %arg0 : i32
    %jit3A = arith.constant 2 : i32
    %div3A = arith.divsi %add3A, %jit3A : i32
    %sign3A = arith.constant 0 : i32
    %sign3A_1 = arith.cmpi sgt, %add3A, %sign3A : i32
    %sign3A_2 = arith.extui %sign3A_1 : i1 to i32
    %sign3A_3 = arith.constant 0 : i32
    %sign3A_4 = arith.cmpi slt, %add3A, %sign3A_3 : i32
    %sign3A_5 = arith.extui %sign3A_4 : i1 to i32
    %sign3A_6 = arith.subi %sign3A_2, %sign3A_5 : i32
    %sign3A_7 = arith.constant 0 : i32
    %sign3A_8 = arith.cmpi sgt, %jit3A, %sign3A_7 : i32
    %sign3A_9 = arith.extui %sign3A_8 : i1 to i32
    %sign3A_10 = arith.constant 0 : i32
    %sign3A_11 = arith.cmpi slt, %jit3A, %sign3A_10 : i32
    %sign3A_12 = arith.extui %sign3A_11 : i1 to i32
    %sign3A_13 = arith.subi %sign3A_9, %sign3A_12 : i32
    %ne3A = arith.cmpi ne, %sign3A_6, %sign3A_13 : i32
    %rem3A = arith.remsi %add3A, %jit3A : i32
    %ne3A_14 = arith.constant 0 : i32
    %ne3A_15 = arith.cmpi ne, %rem3A, %ne3A_14 : i32
    %and3A = arith.andi %ne3A, %ne3A_15 : i1
    %sub3A = arith.constant 1 : i32
    %sub3A_16 = arith.subi %div3A, %sub3A : i32
    %select_n3A = arith.select %and3A, %sub3A_16, %div3A : i32
    %jit3A_17 = arith.constant 2 : i32
    %eq3A = arith.constant 0 : i32
    %eq3A_18 = arith.cmpi eq, %jit3A_17, %eq3A : i32
    %jit3A_19 = arith.constant 1 : i32
    %select_n3A_20 = arith.select %eq3A_18, %jit3A_19, %jit3A_17 : i32
    %rem3A_21 = arith.remsi %add3A, %select_n3A_20 : i32
    %ne3A_22 = arith.constant 0 : i32
    %ne3A_23 = arith.cmpi ne, %rem3A_21, %ne3A_22 : i32
    %lt3A = arith.constant 0 : i32
    %lt3A_24 = arith.cmpi slt, %rem3A_21, %lt3A : i32
    %lt3A_25 = arith.constant 0 : i32
    %lt3A_26 = arith.cmpi slt, %select_n3A_20, %lt3A_25 : i32
    %ne3A_27 = arith.xori %lt3A_24, %lt3A_26 : i1
    %and3A_28 = arith.andi %ne3A_27, %ne3A_23 : i1
    %add3A_29 = arith.addi %rem3A_21, %select_n3A_20 : i32
    %select_n3A_30 = arith.select %and3A_28, %add3A_29, %rem3A_21 : i32
    %mul3A_31 = arith.constant 50000 : i32
    %mul3A_32 = arith.muli %select_n3A_30, %mul3A_31 : i32
    %scan3A = arith.constant 0 : i32
    %scan3A_33 = arith.constant 0 : i32
    %scan3A_34 = arith.constant 3120 : i32
    %scan3A_35 = arith.addi %scan3A_33, %scan3A_34 : i32
    %scan3A_36 = arith.constant 8 : i32
    scf.for %scan3A_355 = %scan3A_33 to %scan3A_35 step %scan3A_36  : i32 {
      %broadcast_in_dim3A_356 = arith.constant 0.000000e+00 : f32
      %broadcast_in_dim3A_357 = vector.broadcast %broadcast_in_dim3A_356 : f32 to vector<16xf32>
      %mul3A_358 = arith.constant 16 : i32
      %mul3A_359 = arith.muli %scan3A_355, %mul3A_358 : i32
      %swap3A_360 = arith.index_cast %mul3A_359 : i32 to index
      %swap3A_361 = tpu.vector_load %arg4[%swap3A_360] {strides = array<i32>} : memref<50000xf32, #tpu.memory_space<vmem>>, vector<16xf32>,
      tpu.vector_store %arg4[%swap3A_360], %broadcast_in_dim3A_357 {strides = array<i32>} : memref<50000xf32, #tpu.memory_space<vmem>>, vector<16xf32>,
      %scan3A_362 = arith.constant 1 : i32
      %scan3A_363 = arith.addi %scan3A_355, %scan3A_362 : i32
      %broadcast_in_dim3A_364 = arith.constant 0.000000e+00 : f32
      %broadcast_in_dim3A_365 = vector.broadcast %broadcast_in_dim3A_364 : f32 to vector<16xf32>
      %mul3A_366 = arith.constant 16 : i32
      %mul3A_367 = arith.muli %scan3A_363, %mul3A_366 : i32
      %swap3A_368 = arith.index_cast %mul3A_367 : i32 to index
      %swap3A_369 = tpu.vector_load %arg4[%swap3A_368] {strides = array<i32>} : memref<50000xf32, #tpu.memory_space<vmem>>, vector<16xf32>,
      tpu.vector_store %arg4[%swap3A_368], %broadcast_in_dim3A_365 {strides = array<i32>} : memref<50000xf32, #tpu.memory_space<vmem>>, vector<16xf32>,
      %scan3A_370 = arith.constant 2 : i32
      %scan3A_371 = arith.addi %scan3A_355, %scan3A_370 : i32
      %broadcast_in_dim3A_372 = arith.constant 0.000000e+00 : f32
      %broadcast_in_dim3A_373 = vector.broadcast %broadcast_in_dim3A_372 : f32 to vector<16xf32>
      %mul3A_374 = arith.constant 16 : i32
      %mul3A_375 = arith.muli %scan3A_371, %mul3A_374 : i32
      %swap3A_376 = arith.index_cast %mul3A_375 : i32 to index
      %swap3A_377 = tpu.vector_load %arg4[%swap3A_376] {strides = array<i32>} : memref<50000xf32, #tpu.memory_space<vmem>>, vector<16xf32>,
      tpu.vector_store %arg4[%swap3A_376], %broadcast_in_dim3A_373 {strides = array<i32>} : memref<50000xf32, #tpu.memory_space<vmem>>, vector<16xf32>,
      %scan3A_378 = arith.constant 3 : i32
      %scan3A_379 = arith.addi %scan3A_355, %scan3A_378 : i32
      %broadcast_in_dim3A_380 = arith.constant 0.000000e+00 : f32
      %broadcast_in_dim3A_381 = vector.broadcast %broadcast_in_dim3A_380 : f32 to vector<16xf32>
      %mul3A_382 = arith.constant 16 : i32
      %mul3A_383 = arith.muli %scan3A_379, %mul3A_382 : i32
      %swap3A_384 = arith.index_cast %mul3A_383 : i32 to index
      %swap3A_385 = tpu.vector_load %arg4[%swap3A_384] {strides = array<i32>} : memref<50000xf32, #tpu.memory_space<vmem>>, vector<16xf32>,
      tpu.vector_store %arg4[%swap3A_384], %broadcast_in_dim3A_381 {strides = array<i32>} : memref<50000xf32, #tpu.memory_space<vmem>>, vector<16xf32>,
      %scan3A_386 = arith.constant 4 : i32
      %scan3A_387 = arith.addi %scan3A_355, %scan3A_386 : i32
      %broadcast_in_dim3A_388 = arith.constant 0.000000e+00 : f32
      %broadcast_in_dim3A_389 = vector.broadcast %broadcast_in_dim3A_388 : f32 to vector<16xf32>
      %mul3A_390 = arith.constant 16 : i32
      %mul3A_391 = arith.muli %scan3A_387, %mul3A_390 : i32
      %swap3A_392 = arith.index_cast %mul3A_391 : i32 to index
      %swap3A_393 = tpu.vector_load %arg4[%swap3A_392] {strides = array<i32>} : memref<50000xf32, #tpu.memory_space<vmem>>, vector<16xf32>,
      tpu.vector_store %arg4[%swap3A_392], %broadcast_in_dim3A_389 {strides = array<i32>} : memref<50000xf32, #tpu.memory_space<vmem>>, vector<16xf32>,
      %scan3A_394 = arith.constant 5 : i32
      %scan3A_395 = arith.addi %scan3A_355, %scan3A_394 : i32
      %broadcast_in_dim3A_396 = arith.constant 0.000000e+00 : f32
      %broadcast_in_dim3A_397 = vector.broadcast %broadcast_in_dim3A_396 : f32 to vector<16xf32>
      %mul3A_398 = arith.constant 16 : i32
      %mul3A_399 = arith.muli %scan3A_395, %mul3A_398 : i32
      %swap3A_400 = arith.index_cast %mul3A_399 : i32 to index
      %swap3A_401 = tpu.vector_load %arg4[%swap3A_400] {strides = array<i32>} : memref<50000xf32, #tpu.memory_space<vmem>>, vector<16xf32>,
      tpu.vector_store %arg4[%swap3A_400], %broadcast_in_dim3A_397 {strides = array<i32>} : memref<50000xf32, #tpu.memory_space<vmem>>, vector<16xf32>,
      %scan3A_402 = arith.constant 6 : i32
      %scan3A_403 = arith.addi %scan3A_355, %scan3A_402 : i32
      %broadcast_in_dim3A_404 = arith.constant 0.000000e+00 : f32
      %broadcast_in_dim3A_405 = vector.broadcast %broadcast_in_dim3A_404 : f32 to vector<16xf32>
      %mul3A_406 = arith.constant 16 : i32
      %mul3A_407 = arith.muli %scan3A_403, %mul3A_406 : i32
      %swap3A_408 = arith.index_cast %mul3A_407 : i32 to index
      %swap3A_409 = tpu.vector_load %arg4[%swap3A_408] {strides = array<i32>} : memref<50000xf32, #tpu.memory_space<vmem>>, vector<16xf32>,
      tpu.vector_store %arg4[%swap3A_408], %broadcast_in_dim3A_405 {strides = array<i32>} : memref<50000xf32, #tpu.memory_space<vmem>>, vector<16xf32>,
      %scan3A_410 = arith.constant 7 : i32
      %scan3A_411 = arith.addi %scan3A_355, %scan3A_410 : i32
      %broadcast_in_dim3A_412 = arith.constant 0.000000e+00 : f32
      %broadcast_in_dim3A_413 = vector.broadcast %broadcast_in_dim3A_412 : f32 to vector<16xf32>
      %mul3A_414 = arith.constant 16 : i32
      %mul3A_415 = arith.muli %scan3A_411, %mul3A_414 : i32
      %swap3A_416 = arith.index_cast %mul3A_415 : i32 to index
      %swap3A_417 = tpu.vector_load %arg4[%swap3A_416] {strides = array<i32>} : memref<50000xf32, #tpu.memory_space<vmem>>, vector<16xf32>,
      tpu.vector_store %arg4[%swap3A_416], %broadcast_in_dim3A_413 {strides = array<i32>} : memref<50000xf32, #tpu.memory_space<vmem>>, vector<16xf32>,
    }
    %scan3A_37 = arith.constant 3120 : i32
    %scan3A_38 = arith.addi %scan3A_33, %scan3A_37 : i32
    %broadcast_in_dim3A = arith.constant 0.000000e+00 : f32
    %broadcast_in_dim3A_39 = vector.broadcast %broadcast_in_dim3A : f32 to vector<16xf32>
    %mul3A_40 = arith.constant 16 : i32
    %mul3A_41 = arith.muli %scan3A_38, %mul3A_40 : i32
    %swap3A = arith.index_cast %mul3A_41 : i32 to index
    %swap3A_42 = tpu.vector_load %arg4[%swap3A] {strides = array<i32>} : memref<50000xf32, #tpu.memory_space<vmem>>, vector<16xf32>,
    tpu.vector_store %arg4[%swap3A], %broadcast_in_dim3A_39 {strides = array<i32>} : memref<50000xf32, #tpu.memory_space<vmem>>, vector<16xf32>,
    %scan3A_43 = arith.constant 3121 : i32
    %scan3A_44 = arith.addi %scan3A_33, %scan3A_43 : i32
    %broadcast_in_dim3A_45 = arith.constant 0.000000e+00 : f32
    %broadcast_in_dim3A_46 = vector.broadcast %broadcast_in_dim3A_45 : f32 to vector<16xf32>
    %mul3A_47 = arith.constant 16 : i32
    %mul3A_48 = arith.muli %scan3A_44, %mul3A_47 : i32
    %swap3A_49 = arith.index_cast %mul3A_48 : i32 to index
    %swap3A_50 = tpu.vector_load %arg4[%swap3A_49] {strides = array<i32>} : memref<50000xf32, #tpu.memory_space<vmem>>, vector<16xf32>,
    tpu.vector_store %arg4[%swap3A_49], %broadcast_in_dim3A_46 {strides = array<i32>} : memref<50000xf32, #tpu.memory_space<vmem>>, vector<16xf32>,
    %scan3A_51 = arith.constant 3122 : i32
    %scan3A_52 = arith.addi %scan3A_33, %scan3A_51 : i32
    %broadcast_in_dim3A_53 = arith.constant 0.000000e+00 : f32
    %broadcast_in_dim3A_54 = vector.broadcast %broadcast_in_dim3A_53 : f32 to vector<16xf32>
    %mul3A_55 = arith.constant 16 : i32
    %mul3A_56 = arith.muli %scan3A_52, %mul3A_55 : i32
    %swap3A_57 = arith.index_cast %mul3A_56 : i32 to index
    %swap3A_58 = tpu.vector_load %arg4[%swap3A_57] {strides = array<i32>} : memref<50000xf32, #tpu.memory_space<vmem>>, vector<16xf32>,
    tpu.vector_store %arg4[%swap3A_57], %broadcast_in_dim3A_54 {strides = array<i32>} : memref<50000xf32, #tpu.memory_space<vmem>>, vector<16xf32>,
    %scan3A_59 = arith.constant 3123 : i32
    %scan3A_60 = arith.addi %scan3A_33, %scan3A_59 : i32
    %broadcast_in_dim3A_61 = arith.constant 0.000000e+00 : f32
    %broadcast_in_dim3A_62 = vector.broadcast %broadcast_in_dim3A_61 : f32 to vector<16xf32>
    %mul3A_63 = arith.constant 16 : i32
    %mul3A_64 = arith.muli %scan3A_60, %mul3A_63 : i32
    %swap3A_65 = arith.index_cast %mul3A_64 : i32 to index
    %swap3A_66 = tpu.vector_load %arg4[%swap3A_65] {strides = array<i32>} : memref<50000xf32, #tpu.memory_space<vmem>>, vector<16xf32>,
    tpu.vector_store %arg4[%swap3A_65], %broadcast_in_dim3A_62 {strides = array<i32>} : memref<50000xf32, #tpu.memory_space<vmem>>, vector<16xf32>,
    %scan3A_67 = arith.constant 3124 : i32
    %scan3A_68 = arith.addi %scan3A_33, %scan3A_67 : i32
    %broadcast_in_dim3A_69 = arith.constant 0.000000e+00 : f32
    %broadcast_in_dim3A_70 = vector.broadcast %broadcast_in_dim3A_69 : f32 to vector<16xf32>
    %mul3A_71 = arith.constant 16 : i32
    %mul3A_72 = arith.muli %scan3A_68, %mul3A_71 : i32
    %swap3A_73 = arith.index_cast %mul3A_72 : i32 to index
    %swap3A_74 = tpu.vector_load %arg4[%swap3A_73] {strides = array<i32>} : memref<50000xf32, #tpu.memory_space<vmem>>, vector<16xf32>,
    tpu.vector_store %arg4[%swap3A_73], %broadcast_in_dim3A_70 {strides = array<i32>} : memref<50000xf32, #tpu.memory_space<vmem>>, vector<16xf32>,
    %scan3A_75 = arith.constant 3125 : i32
    %mul3A_76 = arith.constant 208 : i32
    %mul3A_77 = arith.muli %select_n3A, %mul3A_76 : i32
    "tpu.region"() ({
      %run_scoped3A = tpu.sem_alloc : memref<!tpu.dma_semaphore, #tpu.memory_space<semaphore_mem>>
      %dma_start3A = tpu.memref_slice %arg2[%mul3A_77] : memref<3328xi32, #tpu.memory_space<hbm>> -> memref<208xi32, #tpu.memory_space<hbm>>
      %dma_start3A_355 = tpu.memref_slice %arg2[%mul3A_77] : memref<3328xi32, #tpu.memory_space<hbm>> -> memref<208xi32, #tpu.memory_space<hbm>>
      tpu.enqueue_dma source(%dma_start3A_355 : memref<208xi32, #tpu.memory_space<hbm>>) target(%arg5 : memref<208xi32, #tpu.memory_space<vmem>>) target_semaphore(%run_scoped3A : memref<!tpu.dma_semaphore, #tpu.memory_space<semaphore_mem>>)
      %dma_wait3A = tpu.memref_slice %arg2[%mul3A_77] : memref<3328xi32, #tpu.memory_space<hbm>> -> memref<208xi32, #tpu.memory_space<hbm>>
      %dma_wait3A_356 = tpu.memref_slice %arg2[%mul3A_77] : memref<3328xi32, #tpu.memory_space<hbm>> -> memref<208xi32, #tpu.memory_space<hbm>>
      tpu.wait_dma2 semaphore(%run_scoped3A : memref<!tpu.dma_semaphore, #tpu.memory_space<semaphore_mem>>) src(%dma_wait3A_356 : memref<208xi32, #tpu.memory_space<hbm>>) dst(%arg5 : memref<208xi32, #tpu.memory_space<vmem>>)
      tpu.yield
    }) : () -> ()
    %broadcast_in_dim3A_78 = arith.constant 1.000000e+00 : f32
    %broadcast_in_dim3A_79 = vector.broadcast %broadcast_in_dim3A_78 : f32 to vector<16xf32>
    %scan3A_80 = arith.constant 0 : i32
    %scan3A_81 = arith.constant 0 : i32
    %mul3A_82 = arith.constant 16 : i32
    %mul3A_83 = arith.muli %scan3A_81, %mul3A_82 : i32
    %get3A = arith.index_cast %mul3A_83 : i32 to index
    %get3A_84 = tpu.vector_load %arg5[%get3A] {strides = array<i32>} : memref<208xi32, #tpu.memory_space<vmem>>, vector<16xi32>,
    %ne3A_85 = arith.constant 0 : i32
    %ne3A_86 = vector.broadcast %ne3A_85 : i32 to vector<16xi32>
    %ne3A_87 = arith.cmpi ne, %get3A_84, %ne3A_86 : vector<16xi32>
    %ge3A = vector.broadcast %mul3A_32 : i32 to vector<16xi32>
    %ge3A_88 = arith.cmpi sge, %get3A_84, %ge3A : vector<16xi32>
    %and3A_89 = arith.andi %ne3A_87, %ge3A_88 : vector<16xi1>
    %add3A_90 = arith.constant 50000 : i32
    %add3A_91 = arith.addi %mul3A_32, %add3A_90 : i32
    %lt3A_92 = vector.broadcast %add3A_91 : i32 to vector<16xi32>
    %lt3A_93 = arith.cmpi slt, %get3A_84, %lt3A_92 : vector<16xi32>
    %and3A_94 = arith.andi %and3A_89, %lt3A_93 : vector<16xi1>
    %sub3A_95 = vector.broadcast %mul3A_32 : i32 to vector<16xi32>
    %sub3A_96 = arith.subi %get3A_84, %sub3A_95 : vector<16xi32>
    %jit3A_97 = arith.constant 0 : i32
    %broadcast_in_dim3A_98 = vector.broadcast %jit3A_97 : i32 to vector<16xi32>
    %select_n3A_99 = arith.select %and3A_94, %sub3A_96, %broadcast_in_dim3A_98 : vector<16xi1>, vector<16xi32>
    tpu.vector_store_idx %arg4[%select_n3A_99], %broadcast_in_dim3A_79 masked %and3A_94 : memref<50000xf32, #tpu.memory_space<vmem>>[vector<16xi32>], vector<16xf32>, vector<16xi1>
    %scan3A_100 = arith.constant 1 : i32
    %mul3A_101 = arith.constant 16 : i32
    %mul3A_102 = arith.muli %scan3A_100, %mul3A_101 : i32
    %get3A_103 = arith.index_cast %mul3A_102 : i32 to index
    %get3A_104 = tpu.vector_load %arg5[%get3A_103] {strides = array<i32>} : memref<208xi32, #tpu.memory_space<vmem>>, vector<16xi32>,
    %ne3A_105 = arith.constant 0 : i32
    %ne3A_106 = vector.broadcast %ne3A_105 : i32 to vector<16xi32>
    %ne3A_107 = arith.cmpi ne, %get3A_104, %ne3A_106 : vector<16xi32>
    %ge3A_108 = vector.broadcast %mul3A_32 : i32 to vector<16xi32>
    %ge3A_109 = arith.cmpi sge, %get3A_104, %ge3A_108 : vector<16xi32>
    %and3A_110 = arith.andi %ne3A_107, %ge3A_109 : vector<16xi1>
    %add3A_111 = arith.constant 50000 : i32
    %add3A_112 = arith.addi %mul3A_32, %add3A_111 : i32
    %lt3A_113 = vector.broadcast %add3A_112 : i32 to vector<16xi32>
    %lt3A_114 = arith.cmpi slt, %get3A_104, %lt3A_113 : vector<16xi32>
    %and3A_115 = arith.andi %and3A_110, %lt3A_114 : vector<16xi1>
    %sub3A_116 = vector.broadcast %mul3A_32 : i32 to vector<16xi32>
    %sub3A_117 = arith.subi %get3A_104, %sub3A_116 : vector<16xi32>
    %jit3A_118 = arith.constant 0 : i32
    %broadcast_in_dim3A_119 = vector.broadcast %jit3A_118 : i32 to vector<16xi32>
    %select_n3A_120 = arith.select %and3A_115, %sub3A_117, %broadcast_in_dim3A_119 : vector<16xi1>, vector<16xi32>
    tpu.vector_store_idx %arg4[%select_n3A_120], %broadcast_in_dim3A_79 masked %and3A_115 : memref<50000xf32, #tpu.memory_space<vmem>>[vector<16xi32>], vector<16xf32>, vector<16xi1>
    %scan3A_121 = arith.constant 2 : i32
    %mul3A_122 = arith.constant 16 : i32
    %mul3A_123 = arith.muli %scan3A_121, %mul3A_122 : i32
    %get3A_124 = arith.index_cast %mul3A_123 : i32 to index
    %get3A_125 = tpu.vector_load %arg5[%get3A_124] {strides = array<i32>} : memref<208xi32, #tpu.memory_space<vmem>>, vector<16xi32>,
    %ne3A_126 = arith.constant 0 : i32
    %ne3A_127 = vector.broadcast %ne3A_126 : i32 to vector<16xi32>
    %ne3A_128 = arith.cmpi ne, %get3A_125, %ne3A_127 : vector<16xi32>
    %ge3A_129 = vector.broadcast %mul3A_32 : i32 to vector<16xi32>
    %ge3A_130 = arith.cmpi sge, %get3A_125, %ge3A_129 : vector<16xi32>
    %and3A_131 = arith.andi %ne3A_128, %ge3A_130 : vector<16xi1>
    %add3A_132 = arith.constant 50000 : i32
    %add3A_133 = arith.addi %mul3A_32, %add3A_132 : i32
    %lt3A_134 = vector.broadcast %add3A_133 : i32 to vector<16xi32>
    %lt3A_135 = arith.cmpi slt, %get3A_125, %lt3A_134 : vector<16xi32>
    %and3A_136 = arith.andi %and3A_131, %lt3A_135 : vector<16xi1>
    %sub3A_137 = vector.broadcast %mul3A_32 : i32 to vector<16xi32>
    %sub3A_138 = arith.subi %get3A_125, %sub3A_137 : vector<16xi32>
    %jit3A_139 = arith.constant 0 : i32
    %broadcast_in_dim3A_140 = vector.broadcast %jit3A_139 : i32 to vector<16xi32>
    %select_n3A_141 = arith.select %and3A_136, %sub3A_138, %broadcast_in_dim3A_140 : vector<16xi1>, vector<16xi32>
    tpu.vector_store_idx %arg4[%select_n3A_141], %broadcast_in_dim3A_79 masked %and3A_136 : memref<50000xf32, #tpu.memory_space<vmem>>[vector<16xi32>], vector<16xf32>, vector<16xi1>
    %scan3A_142 = arith.constant 3 : i32
    %mul3A_143 = arith.constant 16 : i32
    %mul3A_144 = arith.muli %scan3A_142, %mul3A_143 : i32
    %get3A_145 = arith.index_cast %mul3A_144 : i32 to index
    %get3A_146 = tpu.vector_load %arg5[%get3A_145] {strides = array<i32>} : memref<208xi32, #tpu.memory_space<vmem>>, vector<16xi32>,
    %ne3A_147 = arith.constant 0 : i32
    %ne3A_148 = vector.broadcast %ne3A_147 : i32 to vector<16xi32>
    %ne3A_149 = arith.cmpi ne, %get3A_146, %ne3A_148 : vector<16xi32>
    %ge3A_150 = vector.broadcast %mul3A_32 : i32 to vector<16xi32>
    %ge3A_151 = arith.cmpi sge, %get3A_146, %ge3A_150 : vector<16xi32>
    %and3A_152 = arith.andi %ne3A_149, %ge3A_151 : vector<16xi1>
    %add3A_153 = arith.constant 50000 : i32
    %add3A_154 = arith.addi %mul3A_32, %add3A_153 : i32
    %lt3A_155 = vector.broadcast %add3A_154 : i32 to vector<16xi32>
    %lt3A_156 = arith.cmpi slt, %get3A_146, %lt3A_155 : vector<16xi32>
    %and3A_157 = arith.andi %and3A_152, %lt3A_156 : vector<16xi1>
    %sub3A_158 = vector.broadcast %mul3A_32 : i32 to vector<16xi32>
    %sub3A_159 = arith.subi %get3A_146, %sub3A_158 : vector<16xi32>
    %jit3A_160 = arith.constant 0 : i32
    %broadcast_in_dim3A_161 = vector.broadcast %jit3A_160 : i32 to vector<16xi32>
    %select_n3A_162 = arith.select %and3A_157, %sub3A_159, %broadcast_in_dim3A_161 : vector<16xi1>, vector<16xi32>
    tpu.vector_store_idx %arg4[%select_n3A_162], %broadcast_in_dim3A_79 masked %and3A_157 : memref<50000xf32, #tpu.memory_space<vmem>>[vector<16xi32>], vector<16xf32>, vector<16xi1>
    %scan3A_163 = arith.constant 4 : i32
    %mul3A_164 = arith.constant 16 : i32
    %mul3A_165 = arith.muli %scan3A_163, %mul3A_164 : i32
    %get3A_166 = arith.index_cast %mul3A_165 : i32 to index
    %get3A_167 = tpu.vector_load %arg5[%get3A_166] {strides = array<i32>} : memref<208xi32, #tpu.memory_space<vmem>>, vector<16xi32>,
    %ne3A_168 = arith.constant 0 : i32
    %ne3A_169 = vector.broadcast %ne3A_168 : i32 to vector<16xi32>
    %ne3A_170 = arith.cmpi ne, %get3A_167, %ne3A_169 : vector<16xi32>
    %ge3A_171 = vector.broadcast %mul3A_32 : i32 to vector<16xi32>
    %ge3A_172 = arith.cmpi sge, %get3A_167, %ge3A_171 : vector<16xi32>
    %and3A_173 = arith.andi %ne3A_170, %ge3A_172 : vector<16xi1>
    %add3A_174 = arith.constant 50000 : i32
    %add3A_175 = arith.addi %mul3A_32, %add3A_174 : i32
    %lt3A_176 = vector.broadcast %add3A_175 : i32 to vector<16xi32>
    %lt3A_177 = arith.cmpi slt, %get3A_167, %lt3A_176 : vector<16xi32>
    %and3A_178 = arith.andi %and3A_173, %lt3A_177 : vector<16xi1>
    %sub3A_179 = vector.broadcast %mul3A_32 : i32 to vector<16xi32>
    %sub3A_180 = arith.subi %get3A_167, %sub3A_179 : vector<16xi32>
    %jit3A_181 = arith.constant 0 : i32
    %broadcast_in_dim3A_182 = vector.broadcast %jit3A_181 : i32 to vector<16xi32>
    %select_n3A_183 = arith.select %and3A_178, %sub3A_180, %broadcast_in_dim3A_182 : vector<16xi1>, vector<16xi32>
    tpu.vector_store_idx %arg4[%select_n3A_183], %broadcast_in_dim3A_79 masked %and3A_178 : memref<50000xf32, #tpu.memory_space<vmem>>[vector<16xi32>], vector<16xf32>, vector<16xi1>
    %scan3A_184 = arith.constant 5 : i32
    %mul3A_185 = arith.constant 16 : i32
    %mul3A_186 = arith.muli %scan3A_184, %mul3A_185 : i32
    %get3A_187 = arith.index_cast %mul3A_186 : i32 to index
    %get3A_188 = tpu.vector_load %arg5[%get3A_187] {strides = array<i32>} : memref<208xi32, #tpu.memory_space<vmem>>, vector<16xi32>,
    %ne3A_189 = arith.constant 0 : i32
    %ne3A_190 = vector.broadcast %ne3A_189 : i32 to vector<16xi32>
    %ne3A_191 = arith.cmpi ne, %get3A_188, %ne3A_190 : vector<16xi32>
    %ge3A_192 = vector.broadcast %mul3A_32 : i32 to vector<16xi32>
    %ge3A_193 = arith.cmpi sge, %get3A_188, %ge3A_192 : vector<16xi32>
    %and3A_194 = arith.andi %ne3A_191, %ge3A_193 : vector<16xi1>
    %add3A_195 = arith.constant 50000 : i32
    %add3A_196 = arith.addi %mul3A_32, %add3A_195 : i32
    %lt3A_197 = vector.broadcast %add3A_196 : i32 to vector<16xi32>
    %lt3A_198 = arith.cmpi slt, %get3A_188, %lt3A_197 : vector<16xi32>
    %and3A_199 = arith.andi %and3A_194, %lt3A_198 : vector<16xi1>
    %sub3A_200 = vector.broadcast %mul3A_32 : i32 to vector<16xi32>
    %sub3A_201 = arith.subi %get3A_188, %sub3A_200 : vector<16xi32>
    %jit3A_202 = arith.constant 0 : i32
    %broadcast_in_dim3A_203 = vector.broadcast %jit3A_202 : i32 to vector<16xi32>
    %select_n3A_204 = arith.select %and3A_199, %sub3A_201, %broadcast_in_dim3A_203 : vector<16xi1>, vector<16xi32>
    tpu.vector_store_idx %arg4[%select_n3A_204], %broadcast_in_dim3A_79 masked %and3A_199 : memref<50000xf32, #tpu.memory_space<vmem>>[vector<16xi32>], vector<16xf32>, vector<16xi1>
    %scan3A_205 = arith.constant 6 : i32
    %mul3A_206 = arith.constant 16 : i32
    %mul3A_207 = arith.muli %scan3A_205, %mul3A_206 : i32
    %get3A_208 = arith.index_cast %mul3A_207 : i32 to index
    %get3A_209 = tpu.vector_load %arg5[%get3A_208] {strides = array<i32>} : memref<208xi32, #tpu.memory_space<vmem>>, vector<16xi32>,
    %ne3A_210 = arith.constant 0 : i32
    %ne3A_211 = vector.broadcast %ne3A_210 : i32 to vector<16xi32>
    %ne3A_212 = arith.cmpi ne, %get3A_209, %ne3A_211 : vector<16xi32>
    %ge3A_213 = vector.broadcast %mul3A_32 : i32 to vector<16xi32>
    %ge3A_214 = arith.cmpi sge, %get3A_209, %ge3A_213 : vector<16xi32>
    %and3A_215 = arith.andi %ne3A_212, %ge3A_214 : vector<16xi1>
    %add3A_216 = arith.constant 50000 : i32
    %add3A_217 = arith.addi %mul3A_32, %add3A_216 : i32
    %lt3A_218 = vector.broadcast %add3A_217 : i32 to vector<16xi32>
    %lt3A_219 = arith.cmpi slt, %get3A_209, %lt3A_218 : vector<16xi32>
    %and3A_220 = arith.andi %and3A_215, %lt3A_219 : vector<16xi1>
    %sub3A_221 = vector.broadcast %mul3A_32 : i32 to vector<16xi32>
    %sub3A_222 = arith.subi %get3A_209, %sub3A_221 : vector<16xi32>
    %jit3A_223 = arith.constant 0 : i32
    %broadcast_in_dim3A_224 = vector.broadcast %jit3A_223 : i32 to vector<16xi32>
    %select_n3A_225 = arith.select %and3A_220, %sub3A_222, %broadcast_in_dim3A_224 : vector<16xi1>, vector<16xi32>
    tpu.vector_store_idx %arg4[%select_n3A_225], %broadcast_in_dim3A_79 masked %and3A_220 : memref<50000xf32, #tpu.memory_space<vmem>>[vector<16xi32>], vector<16xf32>, vector<16xi1>
    %scan3A_226 = arith.constant 7 : i32
    %mul3A_227 = arith.constant 16 : i32
    %mul3A_228 = arith.muli %scan3A_226, %mul3A_227 : i32
    %get3A_229 = arith.index_cast %mul3A_228 : i32 to index
    %get3A_230 = tpu.vector_load %arg5[%get3A_229] {strides = array<i32>} : memref<208xi32, #tpu.memory_space<vmem>>, vector<16xi32>,
    %ne3A_231 = arith.constant 0 : i32
    %ne3A_232 = vector.broadcast %ne3A_231 : i32 to vector<16xi32>
    %ne3A_233 = arith.cmpi ne, %get3A_230, %ne3A_232 : vector<16xi32>
    %ge3A_234 = vector.broadcast %mul3A_32 : i32 to vector<16xi32>
    %ge3A_235 = arith.cmpi sge, %get3A_230, %ge3A_234 : vector<16xi32>
    %and3A_236 = arith.andi %ne3A_233, %ge3A_235 : vector<16xi1>
    %add3A_237 = arith.constant 50000 : i32
    %add3A_238 = arith.addi %mul3A_32, %add3A_237 : i32
    %lt3A_239 = vector.broadcast %add3A_238 : i32 to vector<16xi32>
    %lt3A_240 = arith.cmpi slt, %get3A_230, %lt3A_239 : vector<16xi32>
    %and3A_241 = arith.andi %and3A_236, %lt3A_240 : vector<16xi1>
    %sub3A_242 = vector.broadcast %mul3A_32 : i32 to vector<16xi32>
    %sub3A_243 = arith.subi %get3A_230, %sub3A_242 : vector<16xi32>
    %jit3A_244 = arith.constant 0 : i32
    %broadcast_in_dim3A_245 = vector.broadcast %jit3A_244 : i32 to vector<16xi32>
    %select_n3A_246 = arith.select %and3A_241, %sub3A_243, %broadcast_in_dim3A_245 : vector<16xi1>, vector<16xi32>
    tpu.vector_store_idx %arg4[%select_n3A_246], %broadcast_in_dim3A_79 masked %and3A_241 : memref<50000xf32, #tpu.memory_space<vmem>>[vector<16xi32>], vector<16xf32>, vector<16xi1>
    %scan3A_247 = arith.constant 8 : i32
    %mul3A_248 = arith.constant 16 : i32
    %mul3A_249 = arith.muli %scan3A_247, %mul3A_248 : i32
    %get3A_250 = arith.index_cast %mul3A_249 : i32 to index
    %get3A_251 = tpu.vector_load %arg5[%get3A_250] {strides = array<i32>} : memref<208xi32, #tpu.memory_space<vmem>>, vector<16xi32>,
    %ne3A_252 = arith.constant 0 : i32
    %ne3A_253 = vector.broadcast %ne3A_252 : i32 to vector<16xi32>
    %ne3A_254 = arith.cmpi ne, %get3A_251, %ne3A_253 : vector<16xi32>
    %ge3A_255 = vector.broadcast %mul3A_32 : i32 to vector<16xi32>
    %ge3A_256 = arith.cmpi sge, %get3A_251, %ge3A_255 : vector<16xi32>
    %and3A_257 = arith.andi %ne3A_254, %ge3A_256 : vector<16xi1>
    %add3A_258 = arith.constant 50000 : i32
    %add3A_259 = arith.addi %mul3A_32, %add3A_258 : i32
    %lt3A_260 = vector.broadcast %add3A_259 : i32 to vector<16xi32>
    %lt3A_261 = arith.cmpi slt, %get3A_251, %lt3A_260 : vector<16xi32>
    %and3A_262 = arith.andi %and3A_257, %lt3A_261 : vector<16xi1>
    %sub3A_263 = vector.broadcast %mul3A_32 : i32 to vector<16xi32>
    %sub3A_264 = arith.subi %get3A_251, %sub3A_263 : vector<16xi32>
    %jit3A_265 = arith.constant 0 : i32
    %broadcast_in_dim3A_266 = vector.broadcast %jit3A_265 : i32 to vector<16xi32>
    %select_n3A_267 = arith.select %and3A_262, %sub3A_264, %broadcast_in_dim3A_266 : vector<16xi1>, vector<16xi32>
    tpu.vector_store_idx %arg4[%select_n3A_267], %broadcast_in_dim3A_79 masked %and3A_262 : memref<50000xf32, #tpu.memory_space<vmem>>[vector<16xi32>], vector<16xf32>, vector<16xi1>
    %scan3A_268 = arith.constant 9 : i32
    %mul3A_269 = arith.constant 16 : i32
    %mul3A_270 = arith.muli %scan3A_268, %mul3A_269 : i32
    %get3A_271 = arith.index_cast %mul3A_270 : i32 to index
    %get3A_272 = tpu.vector_load %arg5[%get3A_271] {strides = array<i32>} : memref<208xi32, #tpu.memory_space<vmem>>, vector<16xi32>,
    %ne3A_273 = arith.constant 0 : i32
    %ne3A_274 = vector.broadcast %ne3A_273 : i32 to vector<16xi32>
    %ne3A_275 = arith.cmpi ne, %get3A_272, %ne3A_274 : vector<16xi32>
    %ge3A_276 = vector.broadcast %mul3A_32 : i32 to vector<16xi32>
    %ge3A_277 = arith.cmpi sge, %get3A_272, %ge3A_276 : vector<16xi32>
    %and3A_278 = arith.andi %ne3A_275, %ge3A_277 : vector<16xi1>
    %add3A_279 = arith.constant 50000 : i32
    %add3A_280 = arith.addi %mul3A_32, %add3A_279 : i32
    %lt3A_281 = vector.broadcast %add3A_280 : i32 to vector<16xi32>
    %lt3A_282 = arith.cmpi slt, %get3A_272, %lt3A_281 : vector<16xi32>
    %and3A_283 = arith.andi %and3A_278, %lt3A_282 : vector<16xi1>
    %sub3A_284 = vector.broadcast %mul3A_32 : i32 to vector<16xi32>
    %sub3A_285 = arith.subi %get3A_272, %sub3A_284 : vector<16xi32>
    %jit3A_286 = arith.constant 0 : i32
    %broadcast_in_dim3A_287 = vector.broadcast %jit3A_286 : i32 to vector<16xi32>
    %select_n3A_288 = arith.select %and3A_283, %sub3A_285, %broadcast_in_dim3A_287 : vector<16xi1>, vector<16xi32>
    tpu.vector_store_idx %arg4[%select_n3A_288], %broadcast_in_dim3A_79 masked %and3A_283 : memref<50000xf32, #tpu.memory_space<vmem>>[vector<16xi32>], vector<16xf32>, vector<16xi1>
    %scan3A_289 = arith.constant 10 : i32
    %mul3A_290 = arith.constant 16 : i32
    %mul3A_291 = arith.muli %scan3A_289, %mul3A_290 : i32
    %get3A_292 = arith.index_cast %mul3A_291 : i32 to index
    %get3A_293 = tpu.vector_load %arg5[%get3A_292] {strides = array<i32>} : memref<208xi32, #tpu.memory_space<vmem>>, vector<16xi32>,
    %ne3A_294 = arith.constant 0 : i32
    %ne3A_295 = vector.broadcast %ne3A_294 : i32 to vector<16xi32>
    %ne3A_296 = arith.cmpi ne, %get3A_293, %ne3A_295 : vector<16xi32>
    %ge3A_297 = vector.broadcast %mul3A_32 : i32 to vector<16xi32>
    %ge3A_298 = arith.cmpi sge, %get3A_293, %ge3A_297 : vector<16xi32>
    %and3A_299 = arith.andi %ne3A_296, %ge3A_298 : vector<16xi1>
    %add3A_300 = arith.constant 50000 : i32
    %add3A_301 = arith.addi %mul3A_32, %add3A_300 : i32
    %lt3A_302 = vector.broadcast %add3A_301 : i32 to vector<16xi32>
    %lt3A_303 = arith.cmpi slt, %get3A_293, %lt3A_302 : vector<16xi32>
    %and3A_304 = arith.andi %and3A_299, %lt3A_303 : vector<16xi1>
    %sub3A_305 = vector.broadcast %mul3A_32 : i32 to vector<16xi32>
    %sub3A_306 = arith.subi %get3A_293, %sub3A_305 : vector<16xi32>
    %jit3A_307 = arith.constant 0 : i32
    %broadcast_in_dim3A_308 = vector.broadcast %jit3A_307 : i32 to vector<16xi32>
    %select_n3A_309 = arith.select %and3A_304, %sub3A_306, %broadcast_in_dim3A_308 : vector<16xi1>, vector<16xi32>
    tpu.vector_store_idx %arg4[%select_n3A_309], %broadcast_in_dim3A_79 masked %and3A_304 : memref<50000xf32, #tpu.memory_space<vmem>>[vector<16xi32>], vector<16xf32>, vector<16xi1>
    %scan3A_310 = arith.constant 11 : i32
    %mul3A_311 = arith.constant 16 : i32
    %mul3A_312 = arith.muli %scan3A_310, %mul3A_311 : i32
    %get3A_313 = arith.index_cast %mul3A_312 : i32 to index
    %get3A_314 = tpu.vector_load %arg5[%get3A_313] {strides = array<i32>} : memref<208xi32, #tpu.memory_space<vmem>>, vector<16xi32>,
    %ne3A_315 = arith.constant 0 : i32
    %ne3A_316 = vector.broadcast %ne3A_315 : i32 to vector<16xi32>
    %ne3A_317 = arith.cmpi ne, %get3A_314, %ne3A_316 : vector<16xi32>
    %ge3A_318 = vector.broadcast %mul3A_32 : i32 to vector<16xi32>
    %ge3A_319 = arith.cmpi sge, %get3A_314, %ge3A_318 : vector<16xi32>
    %and3A_320 = arith.andi %ne3A_317, %ge3A_319 : vector<16xi1>
    %add3A_321 = arith.constant 50000 : i32
    %add3A_322 = arith.addi %mul3A_32, %add3A_321 : i32
    %lt3A_323 = vector.broadcast %add3A_322 : i32 to vector<16xi32>
    %lt3A_324 = arith.cmpi slt, %get3A_314, %lt3A_323 : vector<16xi32>
    %and3A_325 = arith.andi %and3A_320, %lt3A_324 : vector<16xi1>
    %sub3A_326 = vector.broadcast %mul3A_32 : i32 to vector<16xi32>
    %sub3A_327 = arith.subi %get3A_314, %sub3A_326 : vector<16xi32>
    %jit3A_328 = arith.constant 0 : i32
    %broadcast_in_dim3A_329 = vector.broadcast %jit3A_328 : i32 to vector<16xi32>
    %select_n3A_330 = arith.select %and3A_325, %sub3A_327, %broadcast_in_dim3A_329 : vector<16xi1>, vector<16xi32>
    tpu.vector_store_idx %arg4[%select_n3A_330], %broadcast_in_dim3A_79 masked %and3A_325 : memref<50000xf32, #tpu.memory_space<vmem>>[vector<16xi32>], vector<16xf32>, vector<16xi1>
    %scan3A_331 = arith.constant 12 : i32
    %mul3A_332 = arith.constant 16 : i32
    %mul3A_333 = arith.muli %scan3A_331, %mul3A_332 : i32
    %get3A_334 = arith.index_cast %mul3A_333 : i32 to index
    %get3A_335 = tpu.vector_load %arg5[%get3A_334] {strides = array<i32>} : memref<208xi32, #tpu.memory_space<vmem>>, vector<16xi32>,
    %ne3A_336 = arith.constant 0 : i32
    %ne3A_337 = vector.broadcast %ne3A_336 : i32 to vector<16xi32>
    %ne3A_338 = arith.cmpi ne, %get3A_335, %ne3A_337 : vector<16xi32>
    %ge3A_339 = vector.broadcast %mul3A_32 : i32 to vector<16xi32>
    %ge3A_340 = arith.cmpi sge, %get3A_335, %ge3A_339 : vector<16xi32>
    %and3A_341 = arith.andi %ne3A_338, %ge3A_340 : vector<16xi1>
    %add3A_342 = arith.constant 50000 : i32
    %add3A_343 = arith.addi %mul3A_32, %add3A_342 : i32
    %lt3A_344 = vector.broadcast %add3A_343 : i32 to vector<16xi32>
    %lt3A_345 = arith.cmpi slt, %get3A_335, %lt3A_344 : vector<16xi32>
    %and3A_346 = arith.andi %and3A_341, %lt3A_345 : vector<16xi1>
    %sub3A_347 = vector.broadcast %mul3A_32 : i32 to vector<16xi32>
    %sub3A_348 = arith.subi %get3A_335, %sub3A_347 : vector<16xi32>
    %jit3A_349 = arith.constant 0 : i32
    %broadcast_in_dim3A_350 = vector.broadcast %jit3A_349 : i32 to vector<16xi32>
    %select_n3A_351 = arith.select %and3A_346, %sub3A_348, %broadcast_in_dim3A_350 : vector<16xi1>, vector<16xi32>
    tpu.vector_store_idx %arg4[%select_n3A_351], %broadcast_in_dim3A_79 masked %and3A_346 : memref<50000xf32, #tpu.memory_space<vmem>>[vector<16xi32>], vector<16xf32>, vector<16xi1>
    %scan3A_352 = arith.constant 13 : i32
    %mul3A_353 = arith.constant 50000 : i32
    %mul3A_354 = arith.muli %add3A, %mul3A_353 : i32
    "tpu.region"() ({
      %run_scoped3A = tpu.sem_alloc : memref<!tpu.dma_semaphore, #tpu.memory_space<semaphore_mem>>
      %dma_start3A = tpu.memref_slice %arg3[%mul3A_354] : memref<1600000xf32, #tpu.memory_space<hbm>> -> memref<50000xf32, #tpu.memory_space<hbm>>
      %dma_start3A_355 = tpu.memref_slice %arg3[%mul3A_354] : memref<1600000xf32, #tpu.memory_space<hbm>> -> memref<50000xf32, #tpu.memory_space<hbm>>
      tpu.enqueue_dma source(%arg4 : memref<50000xf32, #tpu.memory_space<vmem>>) target(%dma_start3A_355 : memref<50000xf32, #tpu.memory_space<hbm>>) target_semaphore(%run_scoped3A : memref<!tpu.dma_semaphore, #tpu.memory_space<semaphore_mem>>)
      %dma_wait3A = tpu.memref_slice %arg3[%mul3A_354] : memref<1600000xf32, #tpu.memory_space<hbm>> -> memref<50000xf32, #tpu.memory_space<hbm>>
      %dma_wait3A_356 = tpu.memref_slice %arg3[%mul3A_354] : memref<1600000xf32, #tpu.memory_space<hbm>> -> memref<50000xf32, #tpu.memory_space<hbm>>
      tpu.wait_dma2 semaphore(%run_scoped3A : memref<!tpu.dma_semaphore, #tpu.memory_space<semaphore_mem>>) src(%arg4 : memref<50000xf32, #tpu.memory_space<vmem>>) dst(%dma_wait3A_356 : memref<50000xf32, #tpu.memory_space<hbm>>)
      tpu.yield
    }) : () -> ()
    return
  }
}

module attributes {stable_mosaic.version = 14 : i64} {
  func.func @_tc_body(%arg0: i32, %arg1: memref<1x16x100352xf32, #tpu.memory_space<vmem>>, %arg2: memref<1x1x100352xf32, #tpu.memory_space<vmem>>, %arg3: memref<1x16x1xf32, #tpu.memory_space<vmem>>) attributes {dimension_semantics = [#tpu.dimension_semantics<parallel>], iteration_bounds = array<i64: 16>, scalar_prefetch = 0 : i64, scratch_operands = 0 : i64, tpu.core_type = #tpu.core_type<tc>, window_params = [{transform_indices = @transform_0, window_bounds = array<i64: 1, 16, 100352>}, {transform_indices = @transform_1, window_bounds = array<i64: 1, 1, 100352>}, {transform_indices = @transform_2, window_bounds = array<i64: 1, 16, 1>}]} {
    %iota3A = tpu.iota {dimensions = array<i32: 1>} : vector<1x100352xi32>
    %lt3A = arith.constant 100000 : i32
    %lt3A_0 = vector.broadcast %lt3A : i32 to vector<1x100352xi32>
    %lt3A_1 = arith.cmpi slt, %iota3A, %lt3A_0 : vector<1x100352xi32>
    %get3A = arith.constant 0 : index
    %get3A_2 = arith.constant 0 : index
    %get3A_3 = arith.constant 0 : index
    %get3A_4 = vector.load %arg1[%get3A, %get3A_2, %get3A_3] : memref<1x16x100352xf32, #tpu.memory_space<vmem>>, vector<1x16x100352xf32>
    %get3A_5 = vector.shape_cast %get3A_4 : vector<1x16x100352xf32> to vector<16x100352xf32>
    %jit3A = arith.constant -1.000000e+30 : f32
    %broadcast_in_dim3A = vector.shape_cast %lt3A_1 : vector<1x100352xi1> to vector<1x100352xi1>
    %broadcast_in_dim3A_6 = vector.broadcast %broadcast_in_dim3A : vector<1x100352xi1> to vector<16x100352xi1>
    %broadcast_in_dim3A_7 = vector.broadcast %jit3A : f32 to vector<16x100352xf32>
    %select_n3A = arith.select %broadcast_in_dim3A_6, %get3A_5, %broadcast_in_dim3A_7 : vector<16x100352xi1>, vector<16x100352xf32>
    %reduce_max3A = arith.constant dense<0xFF800000> : vector<16xf32>
    %reduce_max3A_8 = vector.multi_reduction <maximumf>, %select_n3A, %reduce_max3A [1] : vector<16x100352xf32> to vector<16xf32>
    %broadcast_in_dim3A_9 = vector.shape_cast %reduce_max3A_8 : vector<16xf32> to vector<16x1xf32>
    %sub3A = vector.broadcast %broadcast_in_dim3A_9 : vector<16x1xf32> to vector<16x100352xf32>
    %sub3A_10 = arith.subf %select_n3A, %sub3A : vector<16x100352xf32>
    %exp3A = math.exp %sub3A_10 : vector<16x100352xf32>
    %get3A_11 = arith.constant 0 : index
    %get3A_12 = arith.constant 0 : index
    %get3A_13 = arith.constant 0 : index
    %get3A_14 = vector.load %arg2[%get3A_11, %get3A_12, %get3A_13] : memref<1x1x100352xf32, #tpu.memory_space<vmem>>, vector<1x1x100352xf32>
    %get3A_15 = vector.shape_cast %get3A_14 : vector<1x1x100352xf32> to vector<1x100352xf32>
    %jit3A_16 = arith.constant 0.000000e+00 : f32
    %broadcast_in_dim3A_17 = vector.broadcast %jit3A_16 : f32 to vector<1x100352xf32>
    %select_n3A_18 = arith.select %lt3A_1, %get3A_15, %broadcast_in_dim3A_17 : vector<1x100352xi1>, vector<1x100352xf32>
    %reduce_sum3A = arith.constant dense<0.000000e+00> : vector<16xf32>
    %reduce_sum3A_19 = vector.multi_reduction <add>, %exp3A, %reduce_sum3A [1] : vector<16x100352xf32> to vector<16xf32>
    %broadcast_in_dim3A_20 = vector.shape_cast %reduce_sum3A_19 : vector<16xf32> to vector<16x1xf32>
    %mul3A = vector.broadcast %select_n3A_18 : vector<1x100352xf32> to vector<16x100352xf32>
    %mul3A_21 = arith.mulf %exp3A, %mul3A : vector<16x100352xf32>
    %reduce_sum3A_22 = arith.constant dense<0.000000e+00> : vector<16xf32>
    %reduce_sum3A_23 = vector.multi_reduction <add>, %mul3A_21, %reduce_sum3A_22 [1] : vector<16x100352xf32> to vector<16xf32>
    %broadcast_in_dim3A_24 = vector.shape_cast %reduce_sum3A_23 : vector<16xf32> to vector<16x1xf32>
    %div3A = arith.divf %broadcast_in_dim3A_24, %broadcast_in_dim3A_20 : vector<16x1xf32>
    %swap3A = arith.constant 0 : index
    %swap3A_25 = arith.constant 0 : index
    %swap3A_26 = arith.constant 0 : index
    %swap3A_27 = vector.load %arg3[%swap3A, %swap3A_25, %swap3A_26] : memref<1x16x1xf32, #tpu.memory_space<vmem>>, vector<1x16x1xf32>
    %swap3A_28 = vector.shape_cast %swap3A_27 : vector<1x16x1xf32> to vector<16x1xf32>
    %swap3A_29 = vector.shape_cast %div3A : vector<16x1xf32> to vector<1x16x1xf32>
    tpu.vector_store %arg3[%swap3A, %swap3A_25, %swap3A_26], %swap3A_29 {strides = array<i32>} : memref<1x16x1xf32, #tpu.memory_space<vmem>>, vector<1x16x1xf32>,
    return
  }
  func.func @transform_0(%arg0: i32) -> (i32, i32, i32) {
    %c0_i32 = arith.constant 0 : i32
    %c0_i32_0 = arith.constant 0 : i32
    %c0_i32_1 = arith.constant 0 : i32
    return %arg0, %c0_i32, %c0_i32_0 : i32, i32, i32
  }
  func.func @transform_1(%arg0: i32) -> (i32, i32, i32) {
    %c0_i32 = arith.constant 0 : i32
    %c0_i32_0 = arith.constant 0 : i32
    %c0_i32_1 = arith.constant 0 : i32
    return %arg0, %c0_i32, %c0_i32_0 : i32, i32, i32
  }
  func.func @transform_2(%arg0: i32) -> (i32, i32, i32) {
    %c0_i32 = arith.constant 0 : i32
    %c0_i32_0 = arith.constant 0 : i32
    %c0_i32_1 = arith.constant 0 : i32
    return %arg0, %c0_i32, %c0_i32_0 : i32, i32, i32
  }
}

</mosaic_0001>

<sc_bundles>
// kernel: kernel.4.cloned.1.call-start
scs
__scs_entry_jumppad:
0x0: {  	(pc) =	sbr.rel $0x88, $3  }
0x1: {  	(tag) =	ssettag $0x0;
	lr =	simm.s32 $0x1  }
0x2: {  	[smem:$0x3F9F] =	sst lr;
	_ =	strace $0xD0000000  }
0x3: {  	_ = 	snop  }
0x4: {  	_ = 	snop  }
0x5: {  	_ = 	snop  }
0x6: {  	_ = 	snop  }
0x7: {  	_ = 	snop  }
__scs_overlays_trampoline_lowered:
0x8: {  	[smem:$0x3FAE] =	sst s0  }
0x9: {  	[smem:$0x3FAF] =	sst s1  }
0xa: {  	[smem:$0x3FB0] =	sst s2  }
0xb: {  	[smem:$0x3FB1] =	sst s3  }
0xc: {  	[smem:$0x3FB2] =	sst s4  }
0xd: {  	[smem:$0x3FB3] =	sst s5  }
0xe: {  	[smem:$0x3FB4] =	sst s6  }
0xf: {  	[smem:$0x3FB5] =	sst s7  }
0x10: {  	[smem:$0x3FB6] =	sst s8  }
0x11: {  	[smem:$0x3FB7] =	sst s9;
	s0 =	simm.s32 @!p0 $0x0  }
0x12: {  	s1 =	sld [smem:$0x3F9D];
	s0 =	simm.s32 @p0 $0x1  }
0x13: {  	[smem:$0x3FB8] =	sst s0;
	s0 =	simm.s32 @!p1 $0x0  }
0x14: {  	s2 =	sld [smem:$0x3F9C];
	s0 =	simm.s32 @p1 $0x1  }
0x15: {  	[smem:$0x3FB9] =	sst s0;
	s0 =	simm.s32 @!p2 $0x0  }
0x16: {  	s3 =	sld [smem:$0x3FDB];
	s0 =	simm.s32 @p2 $0x1  }
0x17: {  	s4 =	simm.s32 $0x1BF5;
	[smem:$0x3FBB] =	sst s0  }
0x18: {  	s0 =	sld [smem:$0x3F9E];
	_ =	swait.ge [sflag:s4], $0x0  }
0x19: {  	s7 =	sld [smem:$0x3F9F]  }
0x1a: {  	s8 =	sadd.s32 $0xFFFFE003, lr  }
0x1b: {  	s9 =	sadd.s32 $0xFFFFFEF7, lr;
	s5 =	simm.s32 $0xFFFFFFFF;
	p2 =	slt.u32 s8, $0xFFFFF086  }
0x1c: {  	p1 =	slt.u32 s9, $0xF7A;
	s5 =	simm.s32 @!p2 $0x0  }
0x1d: {  	s5 =	simm.s32 @p1 $0x1;
	p0 =	seq.s32 s7, s2  }
0x1e: {  	s7 =	smul.u32 @!p0 $0xF7A, s2;
	p2 =	seq.s32 @!p0 s5, $0x0  }
0x1f: {  	s9 =	smul.u32 $0xF7A, s1;
	s8 =	simm.s32 @!p0 $0x1BF5;
	p2 =	por !p2, p0  }
0x20: {  	[sflag:s8] =	ssyncset.s32 @!p0 $0xFFFFF086;
	s6 =	sadd.s32 @!p0 s3, s7;
	s7 =	simm.s32 @!p0 $0x108  }
0x21: {  	s3 =	sadd.s32 s3, s9;
	s6 =	sadd.s32 @!p0 $0x88, s6;
	s7 =	simm.s32 @p2 $0x1082  }
0x22: {  	[simem:s7], [sflag:s8] =	dma.local @!p0 [hbm:s6], $0xF7A  }
0x23: {  	s9 =	sor.u32 $0xD0000000, s2;
	s6 =	simm.s32 $0x108;
	_ =	swait.ge @!p0 [sflag:s8], $0x0  }
0x24: {  	s3 =	sadd.s32 $0x88, s3;
	s6 =	simm.s32 @!p1 $0x1082;
	[sflag:s4] =	ssyncset.s32 $0xFFFFF086  }
0x25: {  	[simem:s6], [sflag:s4] =	dma.local [hbm:s3], $0xF7A  }
0x26: {  	[smem:$0x3F9F] =	sst s1;
	(tag) =	ssettag s2;
	_ =	strace s9  }
0x27: {  	s1 =	sld [smem:$0x3FAF]  }
0x28: {  	s2 =	sld [smem:$0x3FB0]  }
0x29: {  	s4 =	sld [smem:$0x3FB2]  }
0x2a: {  	p0 =	seq.s32 s5, $0x0;
	s5 =	sld [smem:$0x3FB3]  }
0x2b: {  	s6 =	sld [smem:$0x3FB4]  }
0x2c: {  	s7 =	sld [smem:$0x3FB5]  }
0x2d: {  	s3 =	simm.s32 $0x108;
	s8 =	sld [smem:$0x3FB6]  }
0x2e: {  	s3 =	simm.s32 @!p0 $0x1082;
	s9 =	sld [smem:$0x3FB7]  }
0x2f: {  	lr =	sadd.s32 s0, s3;
	s0 =	sld [smem:$0x3FAE]  }
0x30: {  	s3 =	sld [smem:$0x3FB1]  }
0x31: {  	[smem:$0x3FBA] =	sst s10  }
0x32: {  	s10 =	sld [smem:$0x3FB8];
	_ =	sdelay $0x3  }
0x33: {  	p0 =	seq.s32 s10, $0x1;
	s10 =	sld [smem:$0x3FBA];
	_ =	sdelay $0x3  }
0x34: {  	[smem:$0x3FBA] =	sst s10  }
0x35: {  	s10 =	sld [smem:$0x3FB9];
	_ =	sdelay $0x3  }
0x36: {  	p1 =	seq.s32 s10, $0x1;
	s10 =	sld [smem:$0x3FBA];
	_ =	sdelay $0x3  }
0x37: {  	[smem:$0x3FBA] =	sst s10  }
0x38: {  	s10 =	sld [smem:$0x3FBB]  }
0x39: {  	_ = 	snop;
	(pc) =	sbr.ind lr, $3  }
0x3a: {  	_ = 	snop  }
0x3b: {  	_ = 	snop  }
0x3c: {  	p2 =	seq.s32 s10, $0x1;
	s10 =	sld [smem:$0x3FBA]  }
0x3d: {  	_ =	shalt  }
0x3e: {  	_ =	shalt  }
0x3f: {  	_ =	shalt  }
0x40: {  	_ =	shalt  }
0x41: {  	_ =	shalt  }
0x42: {  	_ =	shalt  }
0x43: {  	_ =	shalt  }
0x44: {  	_ =	shalt  }
0x45: {  	_ =	shalt  }
0x46: {  	_ =	shalt  }
0x47: {  	_ =	shalt  }
0x48: {  	_ =	shalt  }
0x49: {  	_ =	shalt  }
0x4a: {  	_ =	shalt  }
0x4b: {  	_ =	shalt  }
0x4c: {  	_ =	shalt  }
0x4d: {  	_ =	shalt  }
0x4e: {  	_ =	shalt  }
0x4f: {  	_ =	shalt  }
0x50: {  	_ =	shalt  }
0x51: {  	_ =	shalt  }
0x52: {  	_ =	shalt  }
0x53: {  	_ =	shalt  }
0x54: {  	_ =	shalt  }
0x55: {  	_ =	shalt  }
0x56: {  	_ =	shalt  }
0x57: {  	_ =	shalt  }
0x58: {  	_ =	shalt  }
0x59: {  	_ =	shalt  }
0x5a: {  	_ =	shalt  }
0x5b: {  	_ =	shalt  }
0x5c: {  	_ =	shalt  }
0x5d: {  	_ =	shalt  }
0x5e: {  	_ =	shalt  }
0x5f: {  	_ =	shalt  }
0x60: {  	_ =	shalt  }
0x61: {  	_ =	shalt  }
0x62: {  	_ =	shalt  }
0x63: {  	_ =	shalt  }
0x64: {  	_ =	shalt  }
0x65: {  	_ =	shalt  }
0x66: {  	_ =	shalt  }
0x67: {  	_ =	shalt  }
0x68: {  	_ =	shalt  }
0x69: {  	_ =	shalt  }
0x6a: {  	_ =	shalt  }
0x6b: {  	_ =	shalt  }
0x6c: {  	_ =	shalt  }
0x6d: {  	_ =	shalt  }
0x6e: {  	_ =	shalt  }
0x6f: {  	_ =	shalt  }
0x70: {  	_ =	shalt  }
0x71: {  	_ =	shalt  }
0x72: {  	_ =	shalt  }
0x73: {  	_ =	shalt  }
0x74: {  	_ =	shalt  }
0x75: {  	_ =	shalt  }
0x76: {  	_ =	shalt  }
0x77: {  	_ =	shalt  }
0x78: {  	_ =	shalt  }
0x79: {  	_ =	shalt  }
0x7a: {  	_ =	shalt  }
0x7b: {  	_ =	shalt  }
0x7c: {  	_ =	shalt  }
0x7d: {  	_ =	shalt  }
0x7e: {  	_ =	shalt  }
0x7f: {  	_ =	shalt  }
0x80: {  	_ =	shalt  }
0x81: {  	_ =	shalt  }
0x82: {  	_ =	shalt  }
0x83: {  	_ =	shalt  }
0x84: {  	_ =	shalt  }
0x85: {  	_ =	shalt  }
0x86: {  	_ =	shalt  }
0x87: {  	_ =	shalt  }
.Lfunc_end0:
.L_simem_size_0:
called_computation_lowered:
.L_overlay_start_0:
0x88: {  	s2 =	sld [smem:$0x3FD9]  }
0x89: {  	s3 =	sld [smem:$0x3FFE];
	_ =	sdelay $0x1  }
0x8a: {  	s1 =	srdreg.scid  }
0x8b: {  	s0 =	sand.u32 $0x1, s1  }
0x8c: {  	s16 =	sshll.u32 s0, $0xA;
	s2 =	sadd.s32 s3, s2  }
0x8d: {  	s2 =	sadd.s32 s2, s16  }
0x8e: {  	[smem:$0x3FC6] =	sst s2  }
0x8f: {  	_ = 	snop  }
0x90: {  	(tm) =	ssettm $0x1  }
0x91: {  	s17 =	sld [smem:$0x3FFB];
	_ =	sdelay $0x3  }
0x92: {  	_ =	strace s17  }
0x93: {  	s2 =	sld [smem:$0x3FFC];
	_ =	sdelay $0x3  }
0x94: {  	_ =	strace s2  }
0x95: {  	s2 =	sld [smem:$0x3FFD];
	_ =	sdelay $0x3  }
0x96: {  	_ =	strace s2  }
0x97: {  	_ =	strace $0x8FFFFFFF  }
0x98: {  	s18 =	sld [smem:$0x3FDB];
	_ =	sdelay $0x1  }
0x99: {  	s19 =	simm.s32 $_scs_section_size  }
0x9a: {  	s4 =	simm.s32 $_size__tile_overlayer_lowered;
	s5 =	simm.s32 $_tile_overlayer_lowered  }
0x9b: {  	s22 =	simm.s32 $0x1BFF;
	s21 =	sshll.u32 s5, $0x1;
	s2 =	sadd.s32 s19, s18  }
0x9c: {  	s6 =	simm.s32 $0x0;
	s20 =	sshll.u32 s4, $0x1;
	s4 =	sadd.s32 s21, s2  }
0x9d: {  	[timem:s6], [sflag:s22] =	dma.local [hbm:s4], s20  }
0x9e: {  	_ =	swait.ge [sflag:s22], s20  }
0x9f: {  	s3 =	ssub.s32 $0x0, s20;
	[sflag:s22] =	ssyncset.done $0x0  }
0xa0: {  	[sflag:s22] =	ssyncadd.s32 s3;
	_ =	sdelay $0x1  }
0xa1: {  	s23 =	simm.s32 $0x1B8B  }
0xa2: {  	_ =	swait.ge [sflag:s23], $0x1  }
0xa3: {  	[sflag:s23] =	ssyncset.done $0x0  }
0xa4: {  	s25 =	simm.s32 $0x1B8E;
	s24 =	sld [smem:$0x3FFE];
	[sflag:s23] =	ssyncadd.s32 $0xFFFFFFFF  }
0xa5: {  	s26 =	simm.s32 $execute0_lowered;
	[smem:$0x3FD2] =	sst s25  }
0xa6: {  	s4 =	sshll.u32 s26, $0x1;
	_ =	strace $0x80000046;
	[dreg:$0x1] =	wrdreg $0xFFFFFFFF  }
0xa7: {  	s28 =	simm.s32 $_size_execute0_lowered;
	s2 =	sadd.s32 s2, s4;
	[dreg:$0x0] =	wrdreg $0x0  }
0xa8: {  	s4 =	sshll.u32 s28, $0x1;
	[dreg:$0x2] =	wrdreg s2  }
0xa9: {  	[dreg:$0x3] =	wrdreg s4  }
0xaa: {  	[dreg:$0x4] =	wrdreg $0xC0  }
0xab: {  	_ =	task [dreg:s6], $0x5FFFF  }
0xac: {  	[dreg:$0x1] =	wrdreg $0xFFFFFFFF  }
0xad: {  	[dreg:$0x0] =	wrdreg $0x60  }
0xae: {  	[dreg:$0x2] =	wrdreg s24  }
0xaf: {  	[dreg:$0x3] =	wrdreg $0x9  }
0xb0: {  	_ =	task.clear_ibuf [dreg:s6], $0x4FFFF;
	_ =	strace $0x90000046  }
0xb1: {  	s29 =	simm.s32 $0x9;
	_ =	strace $0x80000048  }
0xb2: {  	_ =	swait.ge [sflag:s29], $0x1  }
0xb3: {  	[sflag:s29] =	ssyncadd.s32 $0xFFFFFFFF  }
0xb4: {  	_ =	strace $0x90000048  }
0xb5: {  	_ =	sfence  }
0xb6: {  	s30 =	sld [smem:$0x0];
	_ =	sdelay $0x2  }
0xb7: {  	s31 =	sshll.u32 s1, $0xD;
	s1 =	sshrl.u32 s1, $0x2  }
0xb8: {  	s3 =	sand.u32 $0x4000, s31;
	s1 =	sadd.s32 s1, s30  }
0xb9: {  	s0 =	sor.u32 s3, s0;
	s1 =	sshll.u32 s1, $0x11  }
0xba: {  	s0 =	sor.u32 s1, s0  }
0xbb: {  	s0 =	sadd.s32 $0x8F2B, s0  }
0xbc: {  	[sflag:s0] =	ssyncadd.remote.s32 $0x1  }
0xbd: {  	_ =	sfence.sel $0xFFFF  }
0xbe: {  	[dreg:$0x0] =	wrdreg $0xFFFFFFFF;
	(pc) =	sbr.abs _section_cstart, $3  }
0xbf: {  	[dreg:$0x1] =	wrdreg $0xFFFFFFFF  }
0xc0: {  	_ =	task.clear_ibuf [dreg:s6], $0x2FFFF;
	_ =	strace $0x9FFFFFFF  }
0xc1: {  	(tm) =	ssettm $0x7FFFFFFF  }
tec
execute0_lowered:
.L_overlay_start_1:
0x0: {  	(tag) =	ssettag $0x1  }
0x1: {  	s1 =	srdreg.scid;
	s0 =	stileid.u32  }
0x2: {  	s3 =	sand.u32 $0x1, s1;
	s29 =	sshll.u32 s0, $0x1  }
0x3: {  	s5 =	rddreg [dreg:$0x0];
	s4 =	sor.u32 s3, s29  }
0x4: {  	s2 =	simm.s32 $0x0;
	p0 =	seq.s32 s3, $0x1;
	p1 =	seq.s32 s4, $0x0  }
0x5: {  	s6 =	simm.s32 $0x1;
	s1 =	rddreg [dreg:$0x1];
	p1 =	por !p1, !p0  }
0x6: {  	s9 =	simm.s32 $0xC350;
	[smem:$0x7FF] =	sst s2;
	p1 =	por !p1, !p1  }
0x7: {  	s3 =	ssub.s32 $0x2, s3;
	_ =	strace $0x80000047;
	s6 =	simm.s32 @!p1 $0x0  }
0x8: {  	s4 =	smul.u32 $0x186A, s4;
	s7 =	sshrl.u32 s3, $0x1;
	s6 =	ssub.s32 s0, s6  }
0x9: {  	s9 =	simm.s32 @!p0 $0x0;
	s7 =	ssub.s32 s3, s7;
	s6 =	smul.u32 $0xD0, s6  }
0xa: {  	s3 =	simm.s32 $0x1;
	s31 =	sadd.s32 $0xC350, s9;
	s8 =	sadd.s32 s4, s5  }
0xb: {  	v2 =	vimm.f32 $0.0e+00;
	s30 =	sshrl.u32 s6, $0x3;
	s6 =	smax.u32 s7, $0x1;
	s7 =	simm.s32 $0xC380  }
0xc: {  	v3 =	vimm.f32 $1.000000000e+00;
	v0 =	vmov s9;
	v1 =	vmov s31;
	s4 =	sadd.s32 s5, s30;
	s5 =	sadd.s32 $0x200, s8;
	s8 =	simm.s32 $0x0  }
.LBB2_1:
0xd: {  	s9 =	simm.s32 $0x40  }
0xe: {  	[tilespmem:s9+$0xFFFFFFC0] =	vst v2  }
0xf: {  	[tilespmem:s9+$0x30] =	vst v2  }
0x10: {  	[tilespmem:s9+$0x20] =	vst v2  }
0x11: {  	[tilespmem:s9+$0x10] =	vst v2  }
0x12: {  	[tilespmem:s9+$0x0] =	vst v2  }
0x13: {  	[tilespmem:s9+$0xFFFFFFF0] =	vst v2  }
0x14: {  	s10 =	simm.s32 $0x0;
	[tilespmem:s9+$0xFFFFFFE0] =	vst v2  }
.LBB2_2:
0x15: {  	s10 =	sadd.s32 $0x8, s10;
	[tilespmem:s9+$0xFFFFFFD0] =	vst v2;
	s9 =	sadd.s32 $0x80, s9  }
0x16: {  	[tilespmem:s9+$0xFFFFFFC0] =	vst v2;
	p0 =	slt.u32 s10, $0xC28  }
0x17: {  	[tilespmem:s9+$0x30] =	vst v2  }
.Ltmp0:
0x18: {  	[tilespmem:s9+$0x20] =	vst v2;
	(pc) =	sbr.rel @p0 .LBB2_2-.Ltmp0, $4  }
0x19: {  	[tilespmem:s9+$0x10] =	vst v2  }
0x1a: {  	[tilespmem:s9+$0x0] =	vst v2  }
0x1b: {  	[tilespmem:s9+$0xFFFFFFF0] =	vst v2  }
0x1c: {  	[tilespmem:s9+$0xFFFFFFE0] =	vst v2  }
0x1d: {  	[tilespmem:s9+$0xFFFFFFD0] =	vst v2  }
0x1e: {  	[tilespmem:$0xC300] =	vst v2  }
0x1f: {  	[tilespmem:$0xC310] =	vst v2  }
0x20: {  	[tilespmem:$0xC320] =	vst v2  }
0x21: {  	[tilespmem:$0xC330] =	vst v2  }
0x22: {  	[tilespmem:$0xC340] =	vst v2  }
0x23: {  	[tilespmem:s7], [sflag:$0x1] =	stream.linear.gather [hbm4b:s4+s2], $0xD0, $0x38;
	[tilespmem:$0xC480] =	vst v63  }
0x24: {  	_ =	swait.ge [sflag:s3], $0xD0  }
0x25: {  	[sflag:s3] =	ssyncset.done $0x0  }
0x26: {  	[sflag:s3] =	ssyncadd.s32 $0xFFFFFF30  }
0x27: {  	v4 =	vld [tilespmem:$0xC380];
	_ =	sdelay $0x4  }
0x28: {  	vm0 =	vne.s32 v4, $0x0;
	vm1 =	vge.s32 v4, v0  }
0x29: {  	vm15 =	vlt.s32 v4, v1;
	vm0 =	vmand vm0, vm1  }
0x2a: {  	v4 =	vsub.s32 v4, v0;
	vm0 =	vmand vm15, vm0  }
0x2b: {  	v4 =	vnsel vm0, $0x0, v4;
	_ =	sdelay $0x4  }
0x2c: {  	[tilespmem:v4+s2+$0x0] =	vst.idx.msk vm0, v3  }
0x2d: {  	v4 =	vld [tilespmem:$0xC390];
	_ =	sdelay $0x4  }
0x2e: {  	vm4 =	vne.s32 v4, $0x0;
	vm5 =	vge.s32 v4, v0  }
0x2f: {  	vm6 =	vlt.s32 v4, v1;
	vm0 =	vmand vm4, vm5  }
0x30: {  	v4 =	vsub.s32 v4, v0;
	vm0 =	vmand vm6, vm0  }
0x31: {  	v4 =	vnsel vm0, $0x0, v4;
	_ =	sdelay $0x4  }
0x32: {  	[tilespmem:v4+s2+$0x0] =	vst.idx.msk vm0, v3  }
0x33: {  	v4 =	vld [tilespmem:$0xC3A0];
	_ =	sdelay $0x4  }
0x34: {  	vm7 =	vne.s32 v4, $0x0;
	vm8 =	vge.s32 v4, v0  }
0x35: {  	vm9 =	vlt.s32 v4, v1;
	vm0 =	vmand vm7, vm8  }
0x36: {  	v4 =	vsub.s32 v4, v0;
	vm0 =	vmand vm9, vm0  }
0x37: {  	v4 =	vnsel vm0, $0x0, v4;
	_ =	sdelay $0x4  }
0x38: {  	[tilespmem:v4+s2+$0x0] =	vst.idx.msk vm0, v3  }
0x39: {  	v4 =	vld [tilespmem:$0xC3B0];
	_ =	sdelay $0x4  }
0x3a: {  	vm10 =	vne.s32 v4, $0x0;
	vm11 =	vge.s32 v4, v0  }
0x3b: {  	vm12 =	vlt.s32 v4, v1;
	vm0 =	vmand vm10, vm11  }
0x3c: {  	v4 =	vsub.s32 v4, v0;
	vm0 =	vmand vm12, vm0  }
0x3d: {  	v4 =	vnsel vm0, $0x0, v4;
	_ =	sdelay $0x4  }
0x3e: {  	[tilespmem:v4+s2+$0x0] =	vst.idx.msk vm0, v3  }
0x3f: {  	v4 =	vld [tilespmem:$0xC3C0];
	_ =	sdelay $0x4  }
0x40: {  	vm13 =	vne.s32 v4, $0x0;
	vm14 =	vge.s32 v4, v0  }
0x41: {  	vm15 =	vlt.s32 v4, v1;
	vm0 =	vmand vm13, vm14  }
0x42: {  	v4 =	vsub.s32 v4, v0;
	vm0 =	vmand vm15, vm0  }
0x43: {  	v4 =	vnsel vm0, $0x0, v4;
	_ =	sdelay $0x4  }
0x44: {  	[tilespmem:v4+s2+$0x0] =	vst.idx.msk vm0, v3  }
0x45: {  	v4 =	vld [tilespmem:$0xC3D0];
	_ =	sdelay $0x4  }
0x46: {  	vm4 =	vne.s32 v4, $0x0;
	vm5 =	vge.s32 v4, v0  }
0x47: {  	vm6 =	vlt.s32 v4, v1;
	vm0 =	vmand vm4, vm5  }
0x48: {  	v4 =	vsub.s32 v4, v0;
	vm0 =	vmand vm6, vm0  }
0x49: {  	v4 =	vnsel vm0, $0x0, v4;
	_ =	sdelay $0x4  }
0x4a: {  	[tilespmem:v4+s2+$0x0] =	vst.idx.msk vm0, v3  }
0x4b: {  	v4 =	vld [tilespmem:$0xC3E0];
	_ =	sdelay $0x4  }
0x4c: {  	vm7 =	vne.s32 v4, $0x0;
	vm8 =	vge.s32 v4, v0  }
0x4d: {  	vm9 =	vlt.s32 v4, v1;
	vm0 =	vmand vm7, vm8  }
0x4e: {  	v4 =	vsub.s32 v4, v0;
	vm0 =	vmand vm9, vm0  }
0x4f: {  	v4 =	vnsel vm0, $0x0, v4;
	_ =	sdelay $0x4  }
0x50: {  	[tilespmem:v4+s2+$0x0] =	vst.idx.msk vm0, v3  }
0x51: {  	v4 =	vld [tilespmem:$0xC3F0];
	_ =	sdelay $0x4  }
0x52: {  	vm10 =	vne.s32 v4, $0x0;
	vm11 =	vge.s32 v4, v0  }
0x53: {  	vm12 =	vlt.s32 v4, v1;
	vm0 =	vmand vm10, vm11  }
0x54: {  	v4 =	vsub.s32 v4, v0;
	vm0 =	vmand vm12, vm0  }
0x55: {  	v4 =	vnsel vm0, $0x0, v4;
	_ =	sdelay $0x4  }
0x56: {  	[tilespmem:v4+s2+$0x0] =	vst.idx.msk vm0, v3  }
0x57: {  	v4 =	vld [tilespmem:$0xC400];
	_ =	sdelay $0x4  }
0x58: {  	vm13 =	vne.s32 v4, $0x0;
	vm14 =	vge.s32 v4, v0  }
0x59: {  	vm15 =	vlt.s32 v4, v1;
	vm0 =	vmand vm13, vm14  }
0x5a: {  	v4 =	vsub.s32 v4, v0;
	vm0 =	vmand vm15, vm0  }
0x5b: {  	v4 =	vnsel vm0, $0x0, v4;
	_ =	sdelay $0x4  }
0x5c: {  	[tilespmem:v4+s2+$0x0] =	vst.idx.msk vm0, v3  }
0x5d: {  	v4 =	vld [tilespmem:$0xC410];
	_ =	sdelay $0x4  }
0x5e: {  	vm4 =	vne.s32 v4, $0x0;
	vm5 =	vge.s32 v4, v0  }
0x5f: {  	vm6 =	vlt.s32 v4, v1;
	vm0 =	vmand vm4, vm5  }
0x60: {  	v4 =	vsub.s32 v4, v0;
	vm0 =	vmand vm6, vm0  }
0x61: {  	v4 =	vnsel vm0, $0x0, v4;
	_ =	sdelay $0x4  }
0x62: {  	[tilespmem:v4+s2+$0x0] =	vst.idx.msk vm0, v3  }
0x63: {  	v4 =	vld [tilespmem:$0xC420];
	_ =	sdelay $0x4  }
0x64: {  	vm7 =	vne.s32 v4, $0x0;
	vm8 =	vge.s32 v4, v0  }
0x65: {  	vm9 =	vlt.s32 v4, v1;
	vm0 =	vmand vm7, vm8  }
0x66: {  	v4 =	vsub.s32 v4, v0;
	vm0 =	vmand vm9, vm0  }
0x67: {  	v4 =	vnsel vm0, $0x0, v4;
	_ =	sdelay $0x4  }
0x68: {  	[tilespmem:v4+s2+$0x0] =	vst.idx.msk vm0, v3  }
0x69: {  	v4 =	vld [tilespmem:$0xC430];
	_ =	sdelay $0x4  }
0x6a: {  	vm10 =	vne.s32 v4, $0x0;
	vm11 =	vge.s32 v4, v0  }
0x6b: {  	vm12 =	vlt.s32 v4, v1;
	vm0 =	vmand vm10, vm11  }
0x6c: {  	v4 =	vsub.s32 v4, v0;
	vm0 =	vmand vm12, vm0  }
0x6d: {  	v4 =	vnsel vm0, $0x0, v4;
	_ =	sdelay $0x4  }
0x6e: {  	[tilespmem:v4+s2+$0x0] =	vst.idx.msk vm0, v3  }
0x6f: {  	v4 =	vld [tilespmem:$0xC440];
	_ =	sdelay $0x4  }
0x70: {  	vm13 =	vne.s32 v4, $0x0;
	vm14 =	vge.s32 v4, v0  }
0x71: {  	vm15 =	vlt.s32 v4, v1;
	vm0 =	vmand vm13, vm14  }
0x72: {  	v4 =	vsub.s32 v4, v0;
	vm0 =	vmand vm15, vm0  }
0x73: {  	v4 =	vnsel vm0, $0x0, v4;
	_ =	sdelay $0x2  }
0x74: {  	s8 =	sadd.s32 $0x1, s8  }
0x75: {  	p0 =	sne.s32 s8, s6  }
.Ltmp1:
0x76: {  	[tilespmem:v4+s2+$0x0] =	vst.idx.msk vm0, v3;
	(pc) =	sbr.rel @p0 .LBB2_1-.Ltmp1, $4  }
0x77: {  	[hbm4b:s5+s2] =	stream.linear.scatter [tilespmem:s2], [sflag:$0x1], $0xC350, $0x38;
	[tilespmem:$0xC480] =	vst v63  }
0x78: {  	_ =	swait.ge [sflag:s3], $0xC350  }
0x79: {  	[sflag:s3] =	ssyncset.done $0x0  }
0x7a: {  	[sflag:s3] =	ssyncadd.s32 $0xFFFF3CB0  }
0x7b: {  	_ =	sfence.sel $0x180000  }
0x7c: {  	[bflag:$0x0] =	sbarrier.arrive $0xFFFF  }
0x7d: {  	p0 =	sne.s32 s0, $0x0;
	_ =	strace $0x90000047  }
0x7e: {  	s0 =	sadd.s32 @!p0 $0x100000, s1;
	[bflag:$0x2] =	sbarrier.arrive $0xFFFF  }
0x7f: {  	[sflag:s0] =	ssyncadd.tile.s32 @!p0 $0x1;
	_ =	shalt  }
.Lfunc_end2:
_tile_overlayer_lowered:
.L_overlay_start_2:
0x80: {  	(tag) =	ssettag $0x2  }
0x81: {  	s0 =	rddreg [dreg:$0x0];
	s2 =	stileid.u32  }
0x82: {  	s1 =	rddreg [dreg:$0x1];
	p0 =	sne.s32 s2, $0x0  }
0x83: {  	s3 =	rddreg [dreg:$0x2];
	[bflag:$0x3] =	sbarrier.arrive $0xFFFF;
	s2 =	simm.s32 @!p0 $0x1C01  }
0x84: {  	[timem:s3], [sflag:s2] =	dma.local @!p0 [hbm:s0], s1  }
0x85: {  	s0 =	simm.s32 @!p0 $0x1  }
0x86: {  	_ =	swait.ge @!p0 [sflag:s0], s1  }
0x87: {  	s1 =	ssub.s32 @!p0 $0x0, s1;
	[sflag:s0] =	ssyncset.done @!p0 $0x0  }
0x88: {  	[sflag:s0] =	ssyncadd.s32 @!p0 s1  }
0x89: {  	[bflag:$0x3] =	sbarrier.arrive $0xFFFF  }
0x8a: {  	_ =	shalt  }

</sc_bundles>
